<compile_context>
chip_gen: v7x
topology: tpu7x:2x2x1
jax: 0.10.2.dev20260603
libtpu: 0.0.44.dev20260713+nightly
codegen_flags: <defaults>
</compile_context>

<pallas_src>
import functools

import jax
import jax.numpy as jnp
from jax import lax
from jax.experimental import pallas as pl
from jax.experimental.pallas import tpu as pltpu
from jax.experimental.pallas import tpu_sc as plsc

B = 4096
D = 128
H = 512


def _gather_sc(user_ids, item_ids, user_table, item_table):
    info = plsc.get_sparse_core_info()
    bpw = B // (info.num_cores * info.num_subcores)
    mesh = plsc.VectorSubcoreMesh(core_axis_name="c", subcore_axis_name="s")

    @functools.partial(
        pl.kernel,
        mesh=mesh,
        out_type=(jax.ShapeDtypeStruct((B, D), jnp.float32),
                  jax.ShapeDtypeStruct((B, D), jnp.float32)),
        scratch_types=[
            pltpu.VMEM((bpw,), jnp.int32),
            pltpu.VMEM((bpw,), jnp.int32),
            pltpu.VMEM((bpw, D), jnp.float32),
            pltpu.VMEM((bpw, D), jnp.float32),
            pltpu.SemaphoreType.DMA,
            pltpu.SemaphoreType.DMA,
            pltpu.SemaphoreType.DMA,
            pltpu.SemaphoreType.DMA,
        ],
    )
    def k(uids_hbm, iids_hbm, ut_hbm, it_hbm, uout_hbm, vout_hbm,
          uidx, iidx, urows, vrows, sem_a, sem_b, sem_c, sem_d):
        wid = lax.axis_index("s") * info.num_cores + lax.axis_index("c")
        base = wid * bpw
        cu_idx = pltpu.async_copy(uids_hbm.at[pl.ds(base, bpw)], uidx, sem_a)
        cv_idx = pltpu.async_copy(iids_hbm.at[pl.ds(base, bpw)], iidx, sem_b)
        cu_idx.wait()
        gu = pltpu.async_copy(ut_hbm.at[uidx], urows, sem_a)
        cv_idx.wait()
        gv = pltpu.async_copy(it_hbm.at[iidx], vrows, sem_b)
        gu.wait()
        wu = pltpu.async_copy(urows, uout_hbm.at[pl.ds(base, bpw)], sem_c)
        gv.wait()
        wv = pltpu.async_copy(vrows, vout_hbm.at[pl.ds(base, bpw)], sem_d)
        wu.wait()
        wv.wait()

    return k(user_ids, item_ids, user_table, item_table)


def _mlp_body(u_ref, v_ref, w1_ref, b1_ref, w2_ref, b2_ref, out_ref):
    x = (u_ref[...] * v_ref[...]).astype(jnp.bfloat16)
    h = jnp.dot(x, w1_ref[...], preferred_element_type=jnp.float32)
    h = jnp.maximum(h + b1_ref[...], 0.0).astype(jnp.bfloat16)
    out = jnp.dot(h, w2_ref[...], preferred_element_type=jnp.float32)
    out_ref[...] = out + b2_ref[...]


def _mlp_tc(u, v, W1, b1, W2, b2):
    blk = 2048
    return pl.pallas_call(
        _mlp_body,
        grid=(B // blk,),
        in_specs=[
            pl.BlockSpec((blk, D), lambda i: (i, 0)),
            pl.BlockSpec((blk, D), lambda i: (i, 0)),
            pl.BlockSpec((D, H), lambda i: (0, 0)),
            pl.BlockSpec((1, H), lambda i: (0, 0)),
            pl.BlockSpec((H, H), lambda i: (0, 0)),
            pl.BlockSpec((1, H), lambda i: (0, 0)),
        ],
        out_specs=pl.BlockSpec((blk, H), lambda i: (i, 0)),
        out_shape=jax.ShapeDtypeStruct((B, H), jnp.float32),
    )(u, v, W1.astype(jnp.bfloat16), b1, W2.astype(jnp.bfloat16), b2)


def kernel(user_ids, item_ids, user_table, item_table, W1, b1, W2, b2):
    u, v = _gather_sc(user_ids, item_ids, user_table, item_table)
    return _mlp_tc(u, v, W1, b1.reshape(1, H), W2, b2.reshape(1, H))

# --- scband reference (transcript-rebuilt; emitter-appended) ---
"""Pipeline reference for scband-light-gcngraph-expert-47244640256625 (READ-ONLY COPY).

The authoritative reference and input builder live on the scoring server;
editing this copy changes nothing except your own understanding.
"""

import jax, jax.numpy as jnp
import numpy as np

B = 4096
NUM_USERS = 100000
NUM_ITEMS = 100000
GRAPH_EMB_DIM = 128
HIDDEN = 512


def setup_inputs(seed: int = 0) -> dict:
    key = jax.random.key(seed)
    ks = jax.random.split(key, 8)
    user_ids = jax.random.randint(ks[0], (B,), 0, NUM_USERS, dtype=jnp.int64 if jax.config.jax_enable_x64 else jnp.int32)
    item_ids = jax.random.randint(ks[1], (B,), 0, NUM_ITEMS, dtype=jnp.int64 if jax.config.jax_enable_x64 else jnp.int32)
    user_table = jax.random.normal(ks[2], (NUM_USERS, GRAPH_EMB_DIM), dtype=jnp.float32) * 0.02
    item_table = jax.random.normal(ks[3], (NUM_ITEMS, GRAPH_EMB_DIM), dtype=jnp.float32) * 0.02
    W1 = jax.random.normal(ks[4], (GRAPH_EMB_DIM, HIDDEN), dtype=jnp.float32) * (1.0 / np.sqrt(GRAPH_EMB_DIM))
    b1 = jnp.zeros((HIDDEN,), dtype=jnp.float32)
    W2 = jax.random.normal(ks[5], (HIDDEN, HIDDEN), dtype=jnp.float32) * (1.0 / np.sqrt(HIDDEN))
    b2 = jnp.zeros((HIDDEN,), dtype=jnp.float32)
    return {
        "user_ids": user_ids,
        "item_ids": item_ids,
        "user_table": user_table,
        "item_table": item_table,
        "W1": W1,
        "b1": b1,
        "W2": W2,
        "b2": b2,
    }


def reference(user_ids, item_ids, user_table, item_table, W1, b1, W2, b2):
    # get_graph_embeddings_batch: gather per-id graph embeddings and combine
    # elementwise (user_graph_emb * item_graph_emb), single-scene case.
    u = jnp.take(user_table, user_ids, axis=0)  # [B, D] embedding gather
    v = jnp.take(item_table, item_ids, axis=0)  # [B, D] embedding gather
    graph_features = u * v                      # [B, D]
    # graph_projection: Linear -> ReLU -> Dropout(eval=identity) -> Linear
    h = jax.nn.relu(graph_features @ W1 + b1)
    out = h @ W2 + b2
    return out

if __name__ == "__main__":
    import jax
    _d = setup_inputs()
    print(jax.jit(kernel)(*tuple(_d.values())))

</pallas_src>

<mosaic_0001>
#map = affine_map<(d0, d1) -> (0)>
#map1 = affine_map<(d0, d1) -> (0, 0)>
module attributes {stable_mosaic.version = 14 : i64} {
  func.func @k(%arg0: i32, %arg1: i32, %arg2: memref<4096xi32, #tpu.memory_space<hbm>>, %arg3: memref<4096xi32, #tpu.memory_space<hbm>>, %arg4: memref<100000x128xf32, #tpu.memory_space<hbm>>, %arg5: memref<100000x128xf32, #tpu.memory_space<hbm>>, %arg6: memref<4096x128xf32, #tpu.memory_space<hbm>>, %arg7: memref<4096x128xf32, #tpu.memory_space<hbm>>, %arg8: memref<128xi32, #tpu.memory_space<vmem>>, %arg9: memref<128xi32, #tpu.memory_space<vmem>>, %arg10: memref<128x128xf32, #tpu.memory_space<vmem>>, %arg11: memref<128x128xf32, #tpu.memory_space<vmem>>, %arg12: memref<!tpu.dma_semaphore, #tpu.memory_space<semaphore_mem>>, %arg13: memref<!tpu.dma_semaphore, #tpu.memory_space<semaphore_mem>>, %arg14: memref<!tpu.dma_semaphore, #tpu.memory_space<semaphore_mem>>, %arg15: memref<!tpu.dma_semaphore, #tpu.memory_space<semaphore_mem>>) attributes {dimension_semantics = [#tpu.dimension_semantics<core_parallel>, #tpu.dimension_semantics<subcore_parallel>], iteration_bounds = array<i64: 2, 16>, scalar_prefetch = 0 : i64, scratch_operands = 8 : i64, tpu.core_type = #tpu.core_type<sc_vector_subcore>, window_params = [{transform_indices = #map}, {transform_indices = #map}, {transform_indices = #map1}, {transform_indices = #map1}, {transform_indices = #map1}, {transform_indices = #map1}]} {
    %mul3A = arith.constant 2 : i32
    %mul3A_0 = arith.muli %arg1, %mul3A : i32
    %add3A = arith.addi %mul3A_0, %arg0 : i32
    %mul3A_1 = arith.constant 128 : i32
    %mul3A_2 = arith.muli %add3A, %mul3A_1 : i32
    %dma_start3A = tpu.memref_slice %arg2[%mul3A_2] : memref<4096xi32, #tpu.memory_space<hbm>> -> memref<128xi32, #tpu.memory_space<hbm>>
    %dma_start3A_3 = tpu.memref_slice %arg2[%mul3A_2] : memref<4096xi32, #tpu.memory_space<hbm>> -> memref<128xi32, #tpu.memory_space<hbm>>
    tpu.enqueue_dma source(%dma_start3A_3 : memref<128xi32, #tpu.memory_space<hbm>>) target(%arg8 : memref<128xi32, #tpu.memory_space<vmem>>) target_semaphore(%arg12 : memref<!tpu.dma_semaphore, #tpu.memory_space<semaphore_mem>>)
    %dma_start3A_4 = tpu.memref_slice %arg3[%mul3A_2] : memref<4096xi32, #tpu.memory_space<hbm>> -> memref<128xi32, #tpu.memory_space<hbm>>
    %dma_start3A_5 = tpu.memref_slice %arg3[%mul3A_2] : memref<4096xi32, #tpu.memory_space<hbm>> -> memref<128xi32, #tpu.memory_space<hbm>>
    tpu.enqueue_dma source(%dma_start3A_5 : memref<128xi32, #tpu.memory_space<hbm>>) target(%arg9 : memref<128xi32, #tpu.memory_space<vmem>>) target_semaphore(%arg13 : memref<!tpu.dma_semaphore, #tpu.memory_space<semaphore_mem>>)
    %dma_wait3A = tpu.memref_slice %arg2[%mul3A_2] : memref<4096xi32, #tpu.memory_space<hbm>> -> memref<128xi32, #tpu.memory_space<hbm>>
    %dma_wait3A_6 = tpu.memref_slice %arg2[%mul3A_2] : memref<4096xi32, #tpu.memory_space<hbm>> -> memref<128xi32, #tpu.memory_space<hbm>>
    tpu.wait_dma2 semaphore(%arg12 : memref<!tpu.dma_semaphore, #tpu.memory_space<semaphore_mem>>) src(%dma_wait3A_6 : memref<128xi32, #tpu.memory_space<hbm>>) dst(%arg8 : memref<128xi32, #tpu.memory_space<vmem>>)
    %dma_start3A_7 = arith.constant 0 : i32
    %dma_start3A_8 = arith.constant 0 : i32
    %dma_start3A_9 = tpu.memref_slice %arg4[%dma_start3A_7, %dma_start3A_8] : memref<100000x128xf32, #tpu.memory_space<hbm>> -> memref<100000x128xf32, #tpu.memory_space<hbm>>
    tpu.enqueue_indirect_dma source(%dma_start3A_9 : memref<100000x128xf32, #tpu.memory_space<hbm>>) target(%arg10 : memref<128x128xf32, #tpu.memory_space<vmem>>) offsets(%arg8 : memref<128xi32, #tpu.memory_space<vmem>>) semaphore(%arg12 : memref<!tpu.dma_semaphore, #tpu.memory_space<semaphore_mem>>)
    %dma_wait3A_10 = tpu.memref_slice %arg3[%mul3A_2] : memref<4096xi32, #tpu.memory_space<hbm>> -> memref<128xi32, #tpu.memory_space<hbm>>
    %dma_wait3A_11 = tpu.memref_slice %arg3[%mul3A_2] : memref<4096xi32, #tpu.memory_space<hbm>> -> memref<128xi32, #tpu.memory_space<hbm>>
    tpu.wait_dma2 semaphore(%arg13 : memref<!tpu.dma_semaphore, #tpu.memory_space<semaphore_mem>>) src(%dma_wait3A_11 : memref<128xi32, #tpu.memory_space<hbm>>) dst(%arg9 : memref<128xi32, #tpu.memory_space<vmem>>)
    %dma_start3A_12 = arith.constant 0 : i32
    %dma_start3A_13 = arith.constant 0 : i32
    %dma_start3A_14 = tpu.memref_slice %arg5[%dma_start3A_12, %dma_start3A_13] : memref<100000x128xf32, #tpu.memory_space<hbm>> -> memref<100000x128xf32, #tpu.memory_space<hbm>>
    tpu.enqueue_indirect_dma source(%dma_start3A_14 : memref<100000x128xf32, #tpu.memory_space<hbm>>) target(%arg11 : memref<128x128xf32, #tpu.memory_space<vmem>>) offsets(%arg9 : memref<128xi32, #tpu.memory_space<vmem>>) semaphore(%arg13 : memref<!tpu.dma_semaphore, #tpu.memory_space<semaphore_mem>>)
    %dma_wait3A_15 = arith.constant 0 : i32
    %dma_wait3A_16 = arith.constant 0 : i32
    %dma_wait3A_17 = tpu.memref_slice %arg4[%dma_wait3A_15, %dma_wait3A_16] : memref<100000x128xf32, #tpu.memory_space<hbm>> -> memref<100000x128xf32, #tpu.memory_space<hbm>>
    tpu.wait_indirect_dma semaphore(%arg12 : memref<!tpu.dma_semaphore, #tpu.memory_space<semaphore_mem>>) src(%dma_wait3A_17 : memref<100000x128xf32, #tpu.memory_space<hbm>>) dst(%arg10 : memref<128x128xf32, #tpu.memory_space<vmem>>)
    %dma_start3A_18 = arith.constant 0 : i32
    %dma_start3A_19 = tpu.memref_slice %arg6[%mul3A_2, %dma_start3A_18] : memref<4096x128xf32, #tpu.memory_space<hbm>> -> memref<128x128xf32, #tpu.memory_space<hbm>>
    %dma_start3A_20 = arith.constant 0 : i32
    %dma_start3A_21 = tpu.memref_slice %arg6[%mul3A_2, %dma_start3A_20] : memref<4096x128xf32, #tpu.memory_space<hbm>> -> memref<128x128xf32, #tpu.memory_space<hbm>>
    tpu.enqueue_dma source(%arg10 : memref<128x128xf32, #tpu.memory_space<vmem>>) target(%dma_start3A_21 : memref<128x128xf32, #tpu.memory_space<hbm>>) target_semaphore(%arg14 : memref<!tpu.dma_semaphore, #tpu.memory_space<semaphore_mem>>)
    %dma_wait3A_22 = arith.constant 0 : i32
    %dma_wait3A_23 = arith.constant 0 : i32
    %dma_wait3A_24 = tpu.memref_slice %arg5[%dma_wait3A_22, %dma_wait3A_23] : memref<100000x128xf32, #tpu.memory_space<hbm>> -> memref<100000x128xf32, #tpu.memory_space<hbm>>
    tpu.wait_indirect_dma semaphore(%arg13 : memref<!tpu.dma_semaphore, #tpu.memory_space<semaphore_mem>>) src(%dma_wait3A_24 : memref<100000x128xf32, #tpu.memory_space<hbm>>) dst(%arg11 : memref<128x128xf32, #tpu.memory_space<vmem>>)
    %dma_start3A_25 = arith.constant 0 : i32
    %dma_start3A_26 = tpu.memref_slice %arg7[%mul3A_2, %dma_start3A_25] : memref<4096x128xf32, #tpu.memory_space<hbm>> -> memref<128x128xf32, #tpu.memory_space<hbm>>
    %dma_start3A_27 = arith.constant 0 : i32
    %dma_start3A_28 = tpu.memref_slice %arg7[%mul3A_2, %dma_start3A_27] : memref<4096x128xf32, #tpu.memory_space<hbm>> -> memref<128x128xf32, #tpu.memory_space<hbm>>
    tpu.enqueue_dma source(%arg11 : memref<128x128xf32, #tpu.memory_space<vmem>>) target(%dma_start3A_28 : memref<128x128xf32, #tpu.memory_space<hbm>>) target_semaphore(%arg15 : memref<!tpu.dma_semaphore, #tpu.memory_space<semaphore_mem>>)
    %dma_wait3A_29 = arith.constant 0 : i32
    %dma_wait3A_30 = tpu.memref_slice %arg6[%mul3A_2, %dma_wait3A_29] : memref<4096x128xf32, #tpu.memory_space<hbm>> -> memref<128x128xf32, #tpu.memory_space<hbm>>
    %dma_wait3A_31 = arith.constant 0 : i32
    %dma_wait3A_32 = tpu.memref_slice %arg6[%mul3A_2, %dma_wait3A_31] : memref<4096x128xf32, #tpu.memory_space<hbm>> -> memref<128x128xf32, #tpu.memory_space<hbm>>
    tpu.wait_dma2 semaphore(%arg14 : memref<!tpu.dma_semaphore, #tpu.memory_space<semaphore_mem>>) src(%arg10 : memref<128x128xf32, #tpu.memory_space<vmem>>) dst(%dma_wait3A_32 : memref<128x128xf32, #tpu.memory_space<hbm>>)
    %dma_wait3A_33 = arith.constant 0 : i32
    %dma_wait3A_34 = tpu.memref_slice %arg7[%mul3A_2, %dma_wait3A_33] : memref<4096x128xf32, #tpu.memory_space<hbm>> -> memref<128x128xf32, #tpu.memory_space<hbm>>
    %dma_wait3A_35 = arith.constant 0 : i32
    %dma_wait3A_36 = tpu.memref_slice %arg7[%mul3A_2, %dma_wait3A_35] : memref<4096x128xf32, #tpu.memory_space<hbm>> -> memref<128x128xf32, #tpu.memory_space<hbm>>
    tpu.wait_dma2 semaphore(%arg15 : memref<!tpu.dma_semaphore, #tpu.memory_space<semaphore_mem>>) src(%arg11 : memref<128x128xf32, #tpu.memory_space<vmem>>) dst(%dma_wait3A_36 : memref<128x128xf32, #tpu.memory_space<hbm>>)
    return
  }
}

module attributes {stable_mosaic.version = 14 : i64} {
  func.func @_mlp_body(%arg0: i32, %arg1: memref<2048x128xf32, #tpu.memory_space<vmem>>, %arg2: memref<2048x128xf32, #tpu.memory_space<vmem>>, %arg3: memref<128x512xbf16, #tpu.memory_space<vmem>>, %arg4: memref<1x512xf32, #tpu.memory_space<vmem>>, %arg5: memref<512x512xbf16, #tpu.memory_space<vmem>>, %arg6: memref<1x512xf32, #tpu.memory_space<vmem>>, %arg7: memref<2048x512xf32, #tpu.memory_space<vmem>>) attributes {dimension_semantics = [#tpu.dimension_semantics<arbitrary>], iteration_bounds = array<i64: 2>, scalar_prefetch = 0 : i64, scratch_operands = 0 : i64, tpu.core_type = #tpu.core_type<tc>, window_params = [{transform_indices = @transform_0, window_bounds = array<i64: 2048, 128>}, {transform_indices = @transform_1, window_bounds = array<i64: 2048, 128>}, {pipeline_mode = #tpu.pipeline_mode<synchronous>, transform_indices = @transform_2, window_bounds = array<i64: 128, 512>}, {pipeline_mode = #tpu.pipeline_mode<synchronous>, transform_indices = @transform_3, window_bounds = array<i64: 1, 512>}, {pipeline_mode = #tpu.pipeline_mode<synchronous>, transform_indices = @transform_4, window_bounds = array<i64: 512, 512>}, {pipeline_mode = #tpu.pipeline_mode<synchronous>, transform_indices = @transform_5, window_bounds = array<i64: 1, 512>}, {transform_indices = @transform_6, window_bounds = array<i64: 2048, 512>}]} {
    %get3A = arith.constant 0 : index
    %get3A_0 = arith.constant 0 : index
    %get3A_1 = vector.load %arg1[%get3A, %get3A_0] : memref<2048x128xf32, #tpu.memory_space<vmem>>, vector<2048x128xf32>
    %get3A_2 = arith.constant 0 : index
    %get3A_3 = arith.constant 0 : index
    %get3A_4 = vector.load %arg2[%get3A_2, %get3A_3] : memref<2048x128xf32, #tpu.memory_space<vmem>>, vector<2048x128xf32>
    %mul3A = arith.mulf %get3A_1, %get3A_4 : vector<2048x128xf32>
    %convert_element_type3A = arith.truncf %mul3A : vector<2048x128xf32> to vector<2048x128xbf16>
    %get3A_5 = arith.constant 0 : index
    %get3A_6 = arith.constant 0 : index
    %get3A_7 = vector.load %arg3[%get3A_5, %get3A_6] : memref<128x512xbf16, #tpu.memory_space<vmem>>, vector<128x512xbf16>
    %dot_general3A = arith.constant dense<0.000000e+00> : vector<2048x512xf32>
    %dot_general3A_8 = tpu.matmul %convert_element_type3A, %get3A_7, %dot_general3A {dimension_numbers = #tpu.dot_dimension_numbers<[1], [0], [0], [1], [0, 0, 1, 1], [], []>, transpose_lhs_hint = false} : vector<2048x128xbf16>, vector<128x512xbf16>, vector<2048x512xf32> -> vector<2048x512xf32>
    %get3A_9 = arith.constant 0 : index
    %get3A_10 = arith.constant 0 : index
    %get3A_11 = vector.load %arg4[%get3A_9, %get3A_10] : memref<1x512xf32, #tpu.memory_space<vmem>>, vector<1x512xf32>
    %add3A = vector.broadcast %get3A_11 : vector<1x512xf32> to vector<2048x512xf32>
    %add3A_12 = arith.addf %dot_general3A_8, %add3A : vector<2048x512xf32>
    %max3A = arith.constant 0.000000e+00 : f32
    %max3A_13 = vector.broadcast %max3A : f32 to vector<2048x512xf32>
    %max3A_14 = arith.maximumf %add3A_12, %max3A_13 : vector<2048x512xf32>
    %convert_element_type3A_15 = arith.truncf %max3A_14 : vector<2048x512xf32> to vector<2048x512xbf16>
    %get3A_16 = arith.constant 0 : index
    %get3A_17 = arith.constant 0 : index
    %get3A_18 = vector.load %arg5[%get3A_16, %get3A_17] : memref<512x512xbf16, #tpu.memory_space<vmem>>, vector<512x512xbf16>
    %dot_general3A_19 = arith.constant dense<0.000000e+00> : vector<2048x512xf32>
    %dot_general3A_20 = tpu.matmul %convert_element_type3A_15, %get3A_18, %dot_general3A_19 {dimension_numbers = #tpu.dot_dimension_numbers<[1], [0], [0], [1], [0, 0, 1, 1], [], []>, transpose_lhs_hint = false} : vector<2048x512xbf16>, vector<512x512xbf16>, vector<2048x512xf32> -> vector<2048x512xf32>
    %get3A_21 = arith.constant 0 : index
    %get3A_22 = arith.constant 0 : index
    %get3A_23 = vector.load %arg6[%get3A_21, %get3A_22] : memref<1x512xf32, #tpu.memory_space<vmem>>, vector<1x512xf32>
    %add3A_24 = vector.broadcast %get3A_23 : vector<1x512xf32> to vector<2048x512xf32>
    %add3A_25 = arith.addf %dot_general3A_20, %add3A_24 : vector<2048x512xf32>
    %swap3A = arith.constant 0 : index
    %swap3A_26 = arith.constant 0 : index
    %swap3A_27 = vector.load %arg7[%swap3A, %swap3A_26] : memref<2048x512xf32, #tpu.memory_space<vmem>>, vector<2048x512xf32>
    tpu.vector_store %arg7[%swap3A, %swap3A_26], %add3A_25 {strides = array<i32>} : memref<2048x512xf32, #tpu.memory_space<vmem>>, vector<2048x512xf32>,
    return
  }
  func.func @transform_0(%arg0: i32) -> (i32, i32) {
    %c0_i32 = arith.constant 0 : i32
    %c0_i32_0 = arith.constant 0 : i32
    return %arg0, %c0_i32 : i32, i32
  }
  func.func @transform_1(%arg0: i32) -> (i32, i32) {
    %c0_i32 = arith.constant 0 : i32
    %c0_i32_0 = arith.constant 0 : i32
    return %arg0, %c0_i32 : i32, i32
  }
  func.func @transform_2(%arg0: i32) -> (i32, i32) {
    %c0_i32 = arith.constant 0 : i32
    %c0_i32_0 = arith.constant 0 : i32
    %c0_i32_1 = arith.constant 0 : i32
    return %c0_i32, %c0_i32_0 : i32, i32
  }
  func.func @transform_3(%arg0: i32) -> (i32, i32) {
    %c0_i32 = arith.constant 0 : i32
    %c0_i32_0 = arith.constant 0 : i32
    %c0_i32_1 = arith.constant 0 : i32
    return %c0_i32, %c0_i32_0 : i32, i32
  }
  func.func @transform_4(%arg0: i32) -> (i32, i32) {
    %c0_i32 = arith.constant 0 : i32
    %c0_i32_0 = arith.constant 0 : i32
    %c0_i32_1 = arith.constant 0 : i32
    return %c0_i32, %c0_i32_0 : i32, i32
  }
  func.func @transform_5(%arg0: i32) -> (i32, i32) {
    %c0_i32 = arith.constant 0 : i32
    %c0_i32_0 = arith.constant 0 : i32
    %c0_i32_1 = arith.constant 0 : i32
    return %c0_i32, %c0_i32_0 : i32, i32
  }
  func.func @transform_6(%arg0: i32) -> (i32, i32) {
    %c0_i32 = arith.constant 0 : i32
    %c0_i32_0 = arith.constant 0 : i32
    return %arg0, %c0_i32 : i32, i32
  }
}

</mosaic_0001>

<sc_bundles>
// kernel: kernel.4.cloned.1.call-start
scs
__scs_entry_jumppad:
0x0: {  	(pc) =	sbr.rel $0x88, $3  }
0x1: {  	(tag) =	ssettag $0x0;
	lr =	simm.s32 $0x1  }
0x2: {  	[smem:$0x3F99] =	sst lr;
	_ =	strace $0xD0000000  }
0x3: {  	_ = 	snop  }
0x4: {  	_ = 	snop  }
0x5: {  	_ = 	snop  }
0x6: {  	_ = 	snop  }
0x7: {  	_ = 	snop  }
__scs_overlays_trampoline_lowered:
0x8: {  	[smem:$0x3FA8] =	sst s0  }
0x9: {  	[smem:$0x3FA9] =	sst s1  }
0xa: {  	[smem:$0x3FAA] =	sst s2  }
0xb: {  	[smem:$0x3FAB] =	sst s3  }
0xc: {  	[smem:$0x3FAC] =	sst s4  }
0xd: {  	[smem:$0x3FAD] =	sst s5  }
0xe: {  	[smem:$0x3FAE] =	sst s6  }
0xf: {  	[smem:$0x3FAF] =	sst s7  }
0x10: {  	[smem:$0x3FB0] =	sst s8  }
0x11: {  	[smem:$0x3FB1] =	sst s9;
	s0 =	simm.s32 @!p0 $0x0  }
0x12: {  	s1 =	sld [smem:$0x3F97];
	s0 =	simm.s32 @p0 $0x1  }
0x13: {  	[smem:$0x3FB2] =	sst s0;
	s0 =	simm.s32 @!p1 $0x0  }
0x14: {  	s2 =	sld [smem:$0x3F96];
	s0 =	simm.s32 @p1 $0x1  }
0x15: {  	[smem:$0x3FB3] =	sst s0;
	s0 =	simm.s32 @!p2 $0x0  }
0x16: {  	s3 =	sld [smem:$0x3FDB];
	s0 =	simm.s32 @p2 $0x1  }
0x17: {  	s4 =	simm.s32 $0x1BF5;
	[smem:$0x3FB5] =	sst s0  }
0x18: {  	s0 =	sld [smem:$0x3F98];
	_ =	swait.ge [sflag:s4], $0x0  }
0x19: {  	s7 =	sld [smem:$0x3F99]  }
0x1a: {  	s8 =	sadd.s32 $0xFFFFE003, lr  }
0x1b: {  	s9 =	sadd.s32 $0xFFFFFEF7, lr;
	s5 =	simm.s32 $0xFFFFFFFF;
	p2 =	slt.u32 s8, $0xFFFFF086  }
0x1c: {  	p1 =	slt.u32 s9, $0xF7A;
	s5 =	simm.s32 @!p2 $0x0  }
0x1d: {  	s5 =	simm.s32 @p1 $0x1;
	p0 =	seq.s32 s7, s2  }
0x1e: {  	s7 =	smul.u32 @!p0 $0xF7A, s2;
	p2 =	seq.s32 @!p0 s5, $0x0  }
0x1f: {  	s9 =	smul.u32 $0xF7A, s1;
	s8 =	simm.s32 @!p0 $0x1BF5;
	p2 =	por !p2, p0  }
0x20: {  	[sflag:s8] =	ssyncset.s32 @!p0 $0xFFFFF086;
	s6 =	sadd.s32 @!p0 s3, s7;
	s7 =	simm.s32 @!p0 $0x108  }
0x21: {  	s3 =	sadd.s32 s3, s9;
	s6 =	sadd.s32 @!p0 $0x88, s6;
	s7 =	simm.s32 @p2 $0x1082  }
0x22: {  	[simem:s7], [sflag:s8] =	dma.local @!p0 [hbm:s6], $0xF7A  }
0x23: {  	s9 =	sor.u32 $0xD0000000, s2;
	s6 =	simm.s32 $0x108;
	_ =	swait.ge @!p0 [sflag:s8], $0x0  }
0x24: {  	s3 =	sadd.s32 $0x88, s3;
	s6 =	simm.s32 @!p1 $0x1082;
	[sflag:s4] =	ssyncset.s32 $0xFFFFF086  }
0x25: {  	[simem:s6], [sflag:s4] =	dma.local [hbm:s3], $0xF7A  }
0x26: {  	[smem:$0x3F99] =	sst s1;
	(tag) =	ssettag s2;
	_ =	strace s9  }
0x27: {  	s1 =	sld [smem:$0x3FA9]  }
0x28: {  	s2 =	sld [smem:$0x3FAA]  }
0x29: {  	s4 =	sld [smem:$0x3FAC]  }
0x2a: {  	p0 =	seq.s32 s5, $0x0;
	s5 =	sld [smem:$0x3FAD]  }
0x2b: {  	s6 =	sld [smem:$0x3FAE]  }
0x2c: {  	s7 =	sld [smem:$0x3FAF]  }
0x2d: {  	s3 =	simm.s32 $0x108;
	s8 =	sld [smem:$0x3FB0]  }
0x2e: {  	s3 =	simm.s32 @!p0 $0x1082;
	s9 =	sld [smem:$0x3FB1]  }
0x2f: {  	lr =	sadd.s32 s0, s3;
	s0 =	sld [smem:$0x3FA8]  }
0x30: {  	s3 =	sld [smem:$0x3FAB]  }
0x31: {  	[smem:$0x3FB4] =	sst s10  }
0x32: {  	s10 =	sld [smem:$0x3FB2];
	_ =	sdelay $0x3  }
0x33: {  	p0 =	seq.s32 s10, $0x1;
	s10 =	sld [smem:$0x3FB4];
	_ =	sdelay $0x3  }
0x34: {  	[smem:$0x3FB4] =	sst s10  }
0x35: {  	s10 =	sld [smem:$0x3FB3];
	_ =	sdelay $0x3  }
0x36: {  	p1 =	seq.s32 s10, $0x1;
	s10 =	sld [smem:$0x3FB4];
	_ =	sdelay $0x3  }
0x37: {  	[smem:$0x3FB4] =	sst s10  }
0x38: {  	s10 =	sld [smem:$0x3FB5]  }
0x39: {  	_ = 	snop;
	(pc) =	sbr.ind lr, $3  }
0x3a: {  	_ = 	snop  }
0x3b: {  	_ = 	snop  }
0x3c: {  	p2 =	seq.s32 s10, $0x1;
	s10 =	sld [smem:$0x3FB4]  }
0x3d: {  	_ =	shalt  }
0x3e: {  	_ =	shalt  }
0x3f: {  	_ =	shalt  }
0x40: {  	_ =	shalt  }
0x41: {  	_ =	shalt  }
0x42: {  	_ =	shalt  }
0x43: {  	_ =	shalt  }
0x44: {  	_ =	shalt  }
0x45: {  	_ =	shalt  }
0x46: {  	_ =	shalt  }
0x47: {  	_ =	shalt  }
0x48: {  	_ =	shalt  }
0x49: {  	_ =	shalt  }
0x4a: {  	_ =	shalt  }
0x4b: {  	_ =	shalt  }
0x4c: {  	_ =	shalt  }
0x4d: {  	_ =	shalt  }
0x4e: {  	_ =	shalt  }
0x4f: {  	_ =	shalt  }
0x50: {  	_ =	shalt  }
0x51: {  	_ =	shalt  }
0x52: {  	_ =	shalt  }
0x53: {  	_ =	shalt  }
0x54: {  	_ =	shalt  }
0x55: {  	_ =	shalt  }
0x56: {  	_ =	shalt  }
0x57: {  	_ =	shalt  }
0x58: {  	_ =	shalt  }
0x59: {  	_ =	shalt  }
0x5a: {  	_ =	shalt  }
0x5b: {  	_ =	shalt  }
0x5c: {  	_ =	shalt  }
0x5d: {  	_ =	shalt  }
0x5e: {  	_ =	shalt  }
0x5f: {  	_ =	shalt  }
0x60: {  	_ =	shalt  }
0x61: {  	_ =	shalt  }
0x62: {  	_ =	shalt  }
0x63: {  	_ =	shalt  }
0x64: {  	_ =	shalt  }
0x65: {  	_ =	shalt  }
0x66: {  	_ =	shalt  }
0x67: {  	_ =	shalt  }
0x68: {  	_ =	shalt  }
0x69: {  	_ =	shalt  }
0x6a: {  	_ =	shalt  }
0x6b: {  	_ =	shalt  }
0x6c: {  	_ =	shalt  }
0x6d: {  	_ =	shalt  }
0x6e: {  	_ =	shalt  }
0x6f: {  	_ =	shalt  }
0x70: {  	_ =	shalt  }
0x71: {  	_ =	shalt  }
0x72: {  	_ =	shalt  }
0x73: {  	_ =	shalt  }
0x74: {  	_ =	shalt  }
0x75: {  	_ =	shalt  }
0x76: {  	_ =	shalt  }
0x77: {  	_ =	shalt  }
0x78: {  	_ =	shalt  }
0x79: {  	_ =	shalt  }
0x7a: {  	_ =	shalt  }
0x7b: {  	_ =	shalt  }
0x7c: {  	_ =	shalt  }
0x7d: {  	_ =	shalt  }
0x7e: {  	_ =	shalt  }
0x7f: {  	_ =	shalt  }
0x80: {  	_ =	shalt  }
0x81: {  	_ =	shalt  }
0x82: {  	_ =	shalt  }
0x83: {  	_ =	shalt  }
0x84: {  	_ =	shalt  }
0x85: {  	_ =	shalt  }
0x86: {  	_ =	shalt  }
0x87: {  	_ =	shalt  }
.Lfunc_end0:
.L_simem_size_0:
called_computation_lowered:
.L_overlay_start_0:
0x88: {  	s2 =	sld [smem:$0x3FD9]  }
0x89: {  	s3 =	sld [smem:$0x3FFE];
	_ =	sdelay $0x1  }
0x8a: {  	s1 =	srdreg.scid  }
0x8b: {  	s0 =	sand.u32 $0x1, s1  }
0x8c: {  	s17 =	sshll.u32 s0, $0xA;
	s2 =	sadd.s32 s3, s2  }
0x8d: {  	s2 =	sadd.s32 s2, s17  }
0x8e: {  	[smem:$0x3FC0] =	sst s2  }
0x8f: {  	_ = 	snop  }
0x90: {  	s2 =	sld [smem:$0x3FC9]  }
0x91: {  	s18 =	sld [smem:$0x3FC8]  }
0x92: {  	s4 =	sld [smem:$0x3FC7]  }
0x93: {  	s5 =	sld [smem:$0x3FC6]  }
0x94: {  	s6 =	sld [smem:$0x3FD0];
	(tm) =	ssettm $0x1  }
0x95: {  	s7 =	sld [smem:$0x3FFB];
	_ =	sdelay $0x3  }
0x96: {  	_ =	strace s7  }
0x97: {  	s7 =	sld [smem:$0x3FFC];
	_ =	sdelay $0x3  }
0x98: {  	_ =	strace s7  }
0x99: {  	s7 =	sld [smem:$0x3FFD];
	_ =	sdelay $0x3  }
0x9a: {  	_ =	strace s7  }
0x9b: {  	_ =	strace $0x8FFFFFFF  }
0x9c: {  	s19 =	sld [smem:$0x3FDB];
	_ =	sdelay $0x1  }
0x9d: {  	s8 =	simm.s32 $_scs_section_size  }
0x9e: {  	s9 =	simm.s32 $_size__tile_overlayer_lowered;
	s10 =	simm.s32 $_tile_overlayer_lowered  }
0x9f: {  	s22 =	simm.s32 $0x1BFF;
	s21 =	sshll.u32 s10, $0x1;
	s7 =	sadd.s32 s8, s19  }
0xa0: {  	s11 =	simm.s32 $0x0;
	s20 =	sshll.u32 s9, $0x1;
	s9 =	sadd.s32 s21, s7  }
0xa1: {  	[timem:s11], [sflag:s22] =	dma.local [hbm:s9], s20  }
0xa2: {  	_ =	swait.ge [sflag:s22], s20  }
0xa3: {  	s8 =	ssub.s32 $0x0, s20;
	[sflag:s22] =	ssyncset.done $0x0  }
0xa4: {  	[sflag:s22] =	ssyncadd.s32 s8;
	_ =	sdelay $0x1  }
0xa5: {  	s23 =	simm.s32 $0x1B8B  }
0xa6: {  	_ =	swait.ge [sflag:s23], $0x1  }
0xa7: {  	[sflag:s23] =	ssyncset.done $0x0  }
0xa8: {  	s25 =	simm.s32 $0x1B8E;
	s24 =	sld [smem:$0x3FFE];
	[sflag:s23] =	ssyncadd.s32 $0xFFFFFFFF  }
0xa9: {  	s26 =	simm.s32 $execute0_lowered;
	[smem:$0x3FD2] =	sst s25  }
0xaa: {  	s9 =	sshll.u32 s26, $0x1;
	_ =	strace $0x80000046;
	[dreg:$0x1] =	wrdreg $0xFFFFFFFF  }
0xab: {  	s28 =	simm.s32 $_size_execute0_lowered;
	s7 =	sadd.s32 s7, s9;
	[dreg:$0x0] =	wrdreg $0x0  }
0xac: {  	s9 =	sshll.u32 s28, $0x1;
	[dreg:$0x2] =	wrdreg s7  }
0xad: {  	[dreg:$0x3] =	wrdreg s9  }
0xae: {  	[dreg:$0x4] =	wrdreg $0xC0  }
0xaf: {  	_ =	task [dreg:s11], $0x5FFFF  }
0xb0: {  	[dreg:$0x1] =	wrdreg $0xFFFFFFFF  }
0xb1: {  	[dreg:$0x0] =	wrdreg $0x60  }
0xb2: {  	[dreg:$0x2] =	wrdreg s2  }
0xb3: {  	[dreg:$0x3] =	wrdreg s18  }
0xb4: {  	[dreg:$0x4] =	wrdreg s4  }
0xb5: {  	[dreg:$0x5] =	wrdreg s5  }
0xb6: {  	[dreg:$0x6] =	wrdreg s6  }
0xb7: {  	[dreg:$0x7] =	wrdreg s24  }
0xb8: {  	[dreg:$0x8] =	wrdreg $0x9  }
0xb9: {  	_ =	task.clear_ibuf [dreg:s11], $0x9FFFF;
	_ =	strace $0x90000046  }
0xba: {  	s29 =	simm.s32 $0x9;
	_ =	strace $0x80000048  }
0xbb: {  	_ =	swait.ge [sflag:s29], $0x1  }
0xbc: {  	[sflag:s29] =	ssyncadd.s32 $0xFFFFFFFF  }
0xbd: {  	_ =	strace $0x90000048  }
0xbe: {  	_ =	sfence  }
0xbf: {  	s30 =	sld [smem:$0x0];
	_ =	sdelay $0x2  }
0xc0: {  	s31 =	sshll.u32 s1, $0xD;
	s1 =	sshrl.u32 s1, $0x2  }
0xc1: {  	s3 =	sand.u32 $0x4000, s31;
	s1 =	sadd.s32 s1, s30  }
0xc2: {  	s0 =	sor.u32 s3, s0;
	s1 =	sshll.u32 s1, $0x11  }
0xc3: {  	s0 =	sor.u32 s1, s0  }
0xc4: {  	s0 =	sadd.s32 $0x8F2B, s0  }
0xc5: {  	[sflag:s0] =	ssyncadd.remote.s32 $0x1  }
0xc6: {  	_ =	sfence.sel $0xFFFF  }
0xc7: {  	[dreg:$0x0] =	wrdreg $0xFFFFFFFF;
	(pc) =	sbr.abs _section_cstart, $3  }
0xc8: {  	[dreg:$0x1] =	wrdreg $0xFFFFFFFF  }
0xc9: {  	_ =	task.clear_ibuf [dreg:s11], $0x2FFFF;
	_ =	strace $0x9FFFFFFF  }
0xca: {  	(tm) =	ssettm $0x7FFFFFFF  }
0xcb: {  	_ =	shalt  }
tec
execute0_lowered:
.L_overlay_start_1:
0x0: {  	(tag) =	ssettag $0x1  }
0x1: {  	s5 =	rddreg [dreg:$0x0]  }
0x2: {  	s6 =	rddreg [dreg:$0x1]  }
0x3: {  	s1 =	rddreg [dreg:$0x2];
	s3 =	srdreg.scid  }
0x4: {  	s2 =	rddreg [dreg:$0x3];
	s0 =	stileid.u32;
	s13 =	sand.u32 $0x1, s3  }
0x5: {  	s12 =	rddreg [dreg:$0x4];
	s7 =	sshll.u32 s0, $0x8;
	s8 =	sshll.u32 s13, $0x7  }
0x6: {  	s14 =	rddreg [dreg:$0x5];
	s4 =	simm.s32 $0x0;
	s15 =	sor.u32 s8, s7  }
0x7: {  	[smem:$0x7FF] =	sst s4;
	s7 =	sshrl.u32 s15, $0x3  }
0x8: {  	s3 =	rddreg [dreg:$0x6];
	_ =	strace $0x80000047;
	s5 =	sadd.s32 s5, s7  }
0x9: {  	[tilespmem:s4], [sflag:$0x1] =	stream.linear.gather [hbm4b:s5+s4], $0x80, $0x38;
	[tilespmem:$0x8100] =	vst v63  }
0xa: {  	s8 =	simm.s32 $0x1;
	s6 =	sadd.s32 s6, s7;
	s7 =	simm.s32 $0x80  }
0xb: {  	[tilespmem:s7], [sflag:$0x2] =	stream.linear.gather [hbm4b:s6+s4], $0x80, $0x38;
	[tilespmem:$0x8100] =	vst v63  }
0xc: {  	_ =	swait.ge [sflag:s8], $0x80  }
0xd: {  	[sflag:s8] =	ssyncset.done $0x0  }
0xe: {  	s9 =	simm.s32 $0x100;
	s10 =	simm.s32 $0x2;
	[sflag:s8] =	ssyncadd.s32 $0xFFFFFF80  }
0xf: {  	[tilespmem:s9], [sflag:$0x1] =	stream.indirect.gather [hbm4b:s1+s7], $0x80, s4, s7, $0xb8;
	[tilespmem:$0x8100] =	vst v63  }
0x10: {  	_ =	swait.ge [sflag:s10], $0x80  }
0x11: {  	[sflag:s10] =	ssyncset.done $0x0  }
0x12: {  	s11 =	simm.s32 $0x4100;
	[sflag:s10] =	ssyncadd.s32 $0xFFFFFF80  }
0x13: {  	[tilespmem:s11], [sflag:$0x2] =	stream.indirect.gather [hbm4b:s2+s7], $0x80, s7, s7, $0xb8;
	[tilespmem:$0x8100] =	vst v63  }
0x14: {  	_ =	swait.ge [sflag:s8], $0x4000  }
0x15: {  	s31 =	ssub.s32 $0x2, s13;
	s15 =	sshll.u32 s15, $0x4;
	[sflag:s8] =	ssyncset.done $0x0  }
0x16: {  	s16 =	sshrl.u32 s31, $0x1;
	s12 =	sadd.s32 s12, s15;
	[sflag:s8] =	ssyncadd.s32 $0xFFFFC000  }
0x17: {  	[hbm4b:s12+s4] =	stream.linear.scatter [tilespmem:s9], [sflag:$0x3], $0x4000, $0x38;
	[tilespmem:$0x8100] =	vst v63  }
0x18: {  	s14 =	sadd.s32 s15, s14;
	s15 =	ssub.s32 s31, s16;
	_ =	swait.ge [sflag:s10], $0x4000  }
0x19: {  	s13 =	sadd.s32 $0x1400, s14;
	s16 =	smax.u32 s15, $0x1;
	[sflag:s10] =	ssyncset.done $0x0  }
0x1a: {  	s14 =	simm.s32 $0x3;
	p0 =	sne.s32 s16, $0x1;
	[sflag:s10] =	ssyncadd.s32 $0xFFFFC000  }
0x1b: {  	[hbm4b:s13+s4] =	stream.linear.scatter [tilespmem:s11], [sflag:$0x4], $0x4000, $0x38;
	[tilespmem:$0x8100] =	vst v63  }
.Ltmp0:
0x1c: {  	_ =	swait.ge [sflag:s14], $0x4000;
	(pc) =	sbr.rel @!p0 .LBB2_2-.Ltmp0, $4  }
0x1d: {  	[sflag:s14] =	ssyncset.done $0x0  }
0x1e: {  	s15 =	simm.s32 $0x4;
	[sflag:s14] =	ssyncadd.s32 $0xFFFFC000  }
0x1f: {  	_ =	swait.ge [sflag:s15], $0x4000  }
0x20: {  	s16 =	sadd.s32 $0xFFFFFFFF, s16;
	[sflag:s15] =	ssyncset.done $0x0  }
.LBB2_1:
0x21: {  	p0 =	sne.s32 s16, $0x1;
	s16 =	sadd.s32 $0xFFFFFFFF, s16;
	[sflag:s15] =	ssyncadd.s32 $0xFFFFC000  }
0x22: {  	[tilespmem:s4], [sflag:$0x1] =	stream.linear.gather [hbm4b:s5+s4], $0x80, $0x38;
	[tilespmem:$0x8100] =	vst v63  }
0x23: {  	_ = 	snop  }
0x24: {  	[tilespmem:s7], [sflag:$0x2] =	stream.linear.gather [hbm4b:s6+s4], $0x80, $0x38;
	[tilespmem:$0x8100] =	vst v63  }
0x25: {  	_ =	swait.ge [sflag:s8], $0x80  }
0x26: {  	[sflag:s8] =	ssyncset.done $0x0  }
0x27: {  	[sflag:s8] =	ssyncadd.s32 $0xFFFFFF80  }
0x28: {  	[tilespmem:s9], [sflag:$0x1] =	stream.indirect.gather [hbm4b:s1+s7], $0x80, s4, s7, $0xb8;
	[tilespmem:$0x8100] =	vst v63  }
0x29: {  	_ =	swait.ge [sflag:s10], $0x80  }
0x2a: {  	[sflag:s10] =	ssyncset.done $0x0  }
0x2b: {  	[sflag:s10] =	ssyncadd.s32 $0xFFFFFF80  }
0x2c: {  	[tilespmem:s11], [sflag:$0x2] =	stream.indirect.gather [hbm4b:s2+s7], $0x80, s7, s7, $0xb8;
	[tilespmem:$0x8100] =	vst v63  }
0x2d: {  	_ =	swait.ge [sflag:s8], $0x4000  }
0x2e: {  	[sflag:s8] =	ssyncset.done $0x0  }
0x2f: {  	[sflag:s8] =	ssyncadd.s32 $0xFFFFC000  }
0x30: {  	[hbm4b:s12+s4] =	stream.linear.scatter [tilespmem:s9], [sflag:$0x3], $0x4000, $0x38;
	[tilespmem:$0x8100] =	vst v63  }
0x31: {  	_ =	swait.ge [sflag:s10], $0x4000  }
0x32: {  	[sflag:s10] =	ssyncset.done $0x0  }
0x33: {  	[sflag:s10] =	ssyncadd.s32 $0xFFFFC000  }
0x34: {  	[hbm4b:s13+s4] =	stream.linear.scatter [tilespmem:s11], [sflag:$0x4], $0x4000, $0x38;
	[tilespmem:$0x8100] =	vst v63  }
.Ltmp1:
0x35: {  	_ =	swait.ge [sflag:s14], $0x4000;
	(pc) =	sbr.rel @p0 .LBB2_1-.Ltmp1, $4  }
0x36: {  	[sflag:s14] =	ssyncset.done $0x0  }
0x37: {  	[sflag:s14] =	ssyncadd.s32 $0xFFFFC000  }
0x38: {  	_ =	swait.ge [sflag:s15], $0x4000  }
0x39: {  	[sflag:s15] =	ssyncset.done $0x0  }
.LBB2_2:
0x3a: {  	[sflag:s15] =	ssyncadd.s32 $0xFFFFC000  }
0x3b: {  	_ =	sfence.sel $0x180000  }
0x3c: {  	[bflag:$0x0] =	sbarrier.arrive $0xFFFF  }
0x3d: {  	p0 =	sne.s32 s0, $0x0;
	_ =	strace $0x90000047  }
0x3e: {  	s0 =	sadd.s32 @!p0 $0x100000, s3;
	[bflag:$0x2] =	sbarrier.arrive $0xFFFF  }
0x3f: {  	[sflag:s0] =	ssyncadd.tile.s32 @!p0 $0x1;
	_ =	shalt  }
.Lfunc_end2:
_tile_overlayer_lowered:
.L_overlay_start_2:
0x40: {  	(tag) =	ssettag $0x2  }
0x41: {  	s0 =	rddreg [dreg:$0x0];
	s2 =	stileid.u32  }
0x42: {  	s1 =	rddreg [dreg:$0x1];
	p0 =	sne.s32 s2, $0x0  }
0x43: {  	s3 =	rddreg [dreg:$0x2];
	[bflag:$0x3] =	sbarrier.arrive $0xFFFF;
	s2 =	simm.s32 @!p0 $0x1C05  }
0x44: {  	[timem:s3], [sflag:s2] =	dma.local @!p0 [hbm:s0], s1  }
0x45: {  	s0 =	simm.s32 @!p0 $0x5  }
0x46: {  	_ =	swait.ge @!p0 [sflag:s0], s1  }
0x47: {  	s1 =	ssub.s32 @!p0 $0x0, s1;
	[sflag:s0] =	ssyncset.done @!p0 $0x0  }
0x48: {  	[sflag:s0] =	ssyncadd.s32 @!p0 s1  }
0x49: {  	[bflag:$0x3] =	sbarrier.arrive $0xFFFF  }
0x4a: {  	_ =	shalt  }

</sc_bundles>
